<compile_context>
chip_gen: v7x
topology: tpu7x:2x2x1
jax: 0.10.2.dev20260603
libtpu: 0.0.44.dev20260713+nightly
codegen_flags: <defaults>
</compile_context>

<pallas_src>
import functools

import jax
import jax.numpy as jnp
from jax import lax
from jax.experimental import pallas as pl
from jax.experimental.pallas import tpu as pltpu
from jax.experimental.pallas import tpu_sc as plsc

_NC = 2
_NS = 16
_NW = _NC * _NS
_ROW = 128
_CHUNK = 128


@functools.lru_cache(maxsize=None)
def _make_gather(vocab, dim, n_idx):
    n_per_w = n_idx // _NW
    nt = n_per_w // _CHUNK
    assert n_idx % (_NW * _CHUNK) == 0 and nt % 2 == 0 and dim <= _ROW
    mesh = plsc.VectorSubcoreMesh(core_axis_name="c", subcore_axis_name="s")

    @functools.partial(
        pl.kernel,
        out_type=jax.ShapeDtypeStruct((n_idx, _ROW), jnp.float32),
        mesh=mesh,
        scratch_types=[
            pltpu.VMEM((nt, _CHUNK), jnp.int32),
            pltpu.VMEM((2, _CHUNK, _ROW), jnp.float32),
            pltpu.SemaphoreType.DMA,
            pltpu.SemaphoreType.DMA,
        ],
        compiler_params=pltpu.CompilerParams(
            needs_layout_passes=False, disable_bounds_checks=True
        ),
    )
    def gather_kernel(idx_hbm, table_hbm, out_hbm, idx_v, rows_v, gsem, wsem):
        wid = lax.axis_index("s") * _NC + lax.axis_index("c")
        pltpu.sync_copy(idx_hbm.at[pl.ds(wid * nt, nt)], idx_v)

        pltpu.async_copy(table_hbm.at[idx_v.at[0]], rows_v.at[0], gsem)

        @pl.loop(0, nt, step=2)
        def _task(t0):
            for h in range(2):
                t = t0 + h

                @pl.when(t > 0)
                def _():
                    pltpu.make_async_copy(
                        rows_v.at[1 - h], out_hbm.at[pl.ds(0, _CHUNK)], wsem
                    ).wait()

                @pl.when(t + 1 < nt)
                def _():
                    pltpu.async_copy(
                        table_hbm.at[idx_v.at[t + 1]], rows_v.at[1 - h], gsem
                    )

                pltpu.make_async_copy(
                    table_hbm.at[idx_v.at[0]], rows_v.at[h], gsem
                ).wait()

                pltpu.async_copy(
                    rows_v.at[h],
                    out_hbm.at[pl.ds(wid * n_per_w + t * _CHUNK, _CHUNK)],
                    wsem,
                )

        pltpu.make_async_copy(rows_v.at[0], out_hbm.at[pl.ds(0, _CHUNK)], wsem).wait()

    return gather_kernel


def kernel(x, embeddings):
    batch, seq = x.shape
    vocab, dim = embeddings.shape
    n_idx = batch * seq
    padded = jnp.pad(embeddings, ((0, 0), (0, _ROW - dim)))
    idx = x.reshape(n_idx // _CHUNK, _CHUNK).astype(jnp.int32)
    out2 = _make_gather(vocab, dim, n_idx)(idx, padded)
    return out2[:, :dim].reshape(batch, seq, dim)

# --- scband reference (transcript-rebuilt; emitter-appended) ---
"""Pipeline reference for scband-embedding-55250459295871 (READ-ONLY COPY).

The authoritative reference and input builder live on the scoring server;
editing this copy changes nothing except your own understanding.
"""

import jax, jax.numpy as jnp
import numpy as np

VOCAB_SIZE = 1000000
MODEL_DIM = 64
BATCH = 4096
SEQ_LEN = 200

def setup_inputs(seed: int = 0) -> dict:
    key = jax.random.key(seed)
    k_idx, k_emb = jax.random.split(key)
    x = jax.random.randint(k_idx, (BATCH, SEQ_LEN), 0, VOCAB_SIZE, dtype=jnp.int64 if jax.config.jax_enable_x64 else jnp.int32)
    embeddings = jax.random.normal(k_emb, (VOCAB_SIZE, MODEL_DIM), dtype=jnp.float32)
    return {"x": x, "embeddings": embeddings}

def reference(x, embeddings):
    # Faithful translation of: self.embeddings[x]
    out = jnp.take(embeddings, x, axis=0)
    return out

if __name__ == "__main__":
    import jax
    _d = setup_inputs()
    print(jax.jit(kernel)(*tuple(_d.values())))

</pallas_src>

<mosaic_0001>
#map = affine_map<(d0, d1) -> (0, 0)>
module attributes {stable_mosaic.version = 14 : i64} {
  func.func @gather_kernel(%arg0: i32, %arg1: i32, %arg2: memref<6400x128xi32, #tpu.memory_space<hbm>>, %arg3: memref<1000000x128xf32, #tpu.memory_space<hbm>>, %arg4: memref<819200x128xf32, #tpu.memory_space<hbm>>, %arg5: memref<200x128xi32, #tpu.memory_space<vmem>>, %arg6: memref<2x128x128xf32, #tpu.memory_space<vmem>>, %arg7: memref<!tpu.dma_semaphore, #tpu.memory_space<semaphore_mem>>, %arg8: memref<!tpu.dma_semaphore, #tpu.memory_space<semaphore_mem>>) attributes {dimension_semantics = [#tpu.dimension_semantics<core_parallel>, #tpu.dimension_semantics<subcore_parallel>], iteration_bounds = array<i64: 2, 16>, scalar_prefetch = 0 : i64, scratch_operands = 4 : i64, tpu.core_type = #tpu.core_type<sc_vector_subcore>, window_params = [{transform_indices = #map}, {transform_indices = #map}, {transform_indices = #map}]} {
    %mul3A = arith.constant 2 : i32
    %mul3A_0 = arith.muli %arg1, %mul3A : i32
    %add3A = arith.addi %mul3A_0, %arg0 : i32
    %mul3A_1 = arith.constant 200 : i32
    %mul3A_2 = arith.muli %add3A, %mul3A_1 : i32
    "tpu.region"() ({
      %run_scoped3A = tpu.sem_alloc : memref<!tpu.dma_semaphore, #tpu.memory_space<semaphore_mem>>
      %dma_start3A_32 = arith.constant 0 : i32
      %dma_start3A_33 = tpu.memref_slice %arg2[%mul3A_2, %dma_start3A_32] : memref<6400x128xi32, #tpu.memory_space<hbm>> -> memref<200x128xi32, #tpu.memory_space<hbm>>
      %dma_start3A_34 = arith.constant 0 : i32
      %dma_start3A_35 = tpu.memref_slice %arg2[%mul3A_2, %dma_start3A_34] : memref<6400x128xi32, #tpu.memory_space<hbm>> -> memref<200x128xi32, #tpu.memory_space<hbm>>
      tpu.enqueue_dma source(%dma_start3A_35 : memref<200x128xi32, #tpu.memory_space<hbm>>) target(%arg5 : memref<200x128xi32, #tpu.memory_space<vmem>>) target_semaphore(%run_scoped3A : memref<!tpu.dma_semaphore, #tpu.memory_space<semaphore_mem>>)
      %dma_wait3A_36 = arith.constant 0 : i32
      %dma_wait3A_37 = tpu.memref_slice %arg2[%mul3A_2, %dma_wait3A_36] : memref<6400x128xi32, #tpu.memory_space<hbm>> -> memref<200x128xi32, #tpu.memory_space<hbm>>
      %dma_wait3A_38 = arith.constant 0 : i32
      %dma_wait3A_39 = tpu.memref_slice %arg2[%mul3A_2, %dma_wait3A_38] : memref<6400x128xi32, #tpu.memory_space<hbm>> -> memref<200x128xi32, #tpu.memory_space<hbm>>
      tpu.wait_dma2 semaphore(%run_scoped3A : memref<!tpu.dma_semaphore, #tpu.memory_space<semaphore_mem>>) src(%dma_wait3A_39 : memref<200x128xi32, #tpu.memory_space<hbm>>) dst(%arg5 : memref<200x128xi32, #tpu.memory_space<vmem>>)
      tpu.yield
    }) : () -> ()
    %dma_start3A = arith.constant 0 : i32
    %dma_start3A_3 = arith.constant 0 : i32
    %dma_start3A_4 = arith.constant 0 : i32
    %dma_start3A_5 = arith.constant 0 : i32
    %dma_start3A_6 = tpu.memref_slice %arg6[%dma_start3A_3, %dma_start3A_4, %dma_start3A_5] : memref<2x128x128xf32, #tpu.memory_space<vmem>> -> memref<1x128x128xf32, #tpu.memory_space<vmem>>
    %dma_start3A_7 = tpu.memref_squeeze %dma_start3A_6 : memref<1x128x128xf32, #tpu.memory_space<vmem>> -> memref<128x128xf32, #tpu.memory_space<vmem>>
    %dma_start3A_8 = arith.constant 0 : i32
    %dma_start3A_9 = tpu.memref_slice %arg5[%dma_start3A, %dma_start3A_8] : memref<200x128xi32, #tpu.memory_space<vmem>> -> memref<1x128xi32, #tpu.memory_space<vmem>>
    %dma_start3A_10 = tpu.memref_squeeze %dma_start3A_9 : memref<1x128xi32, #tpu.memory_space<vmem>> -> memref<128xi32, #tpu.memory_space<vmem>>
    %dma_start3A_11 = arith.constant 0 : i32
    %dma_start3A_12 = arith.constant 0 : i32
    %dma_start3A_13 = tpu.memref_slice %arg3[%dma_start3A_11, %dma_start3A_12] : memref<1000000x128xf32, #tpu.memory_space<hbm>> -> memref<1000000x128xf32, #tpu.memory_space<hbm>>
    tpu.enqueue_indirect_dma source(%dma_start3A_13 : memref<1000000x128xf32, #tpu.memory_space<hbm>>) target(%dma_start3A_7 : memref<128x128xf32, #tpu.memory_space<vmem>>) offsets(%dma_start3A_10 : memref<128xi32, #tpu.memory_space<vmem>>) semaphore(%arg7 : memref<!tpu.dma_semaphore, #tpu.memory_space<semaphore_mem>>)
    %scan3A = arith.constant 0 : i32
    %scan3A_14 = arith.constant 100 : i32
    %scan3A_15 = arith.addi %scan3A, %scan3A_14 : i32
    %scan3A_16 = arith.constant 1 : i32
    scf.for %scan3A_32 = %scan3A to %scan3A_15 step %scan3A_16  : i32 {
      %mul3A_33 = arith.constant 2 : i32
      %mul3A_34 = arith.muli %scan3A_32, %mul3A_33 : i32
      %add3A_35 = arith.constant 0 : i32
      %add3A_36 = arith.addi %add3A_35, %mul3A_34 : i32
      %add3A_37 = arith.constant 0 : i32
      %add3A_38 = arith.addi %add3A_36, %add3A_37 : i32
      %gt3A = arith.constant 0 : i32
      %gt3A_39 = arith.cmpi sgt, %add3A_38, %gt3A : i32
      %convert_element_type3A = arith.extui %gt3A_39 : i1 to i32
      %cond3A = arith.constant 0 : i32
      %cond3A_40 = arith.cmpi ne, %convert_element_type3A, %cond3A : i32
      scf.if %cond3A_40 {
        %dma_wait3A_121 = arith.constant 1 : i32
        %dma_wait3A_122 = arith.constant 0 : i32
        %dma_wait3A_123 = arith.constant 0 : i32
        %dma_wait3A_124 = tpu.memref_slice %arg6[%dma_wait3A_121, %dma_wait3A_122, %dma_wait3A_123] : memref<2x128x128xf32, #tpu.memory_space<vmem>> -> memref<1x128x128xf32, #tpu.memory_space<vmem>>
        %dma_wait3A_125 = tpu.memref_squeeze %dma_wait3A_124 : memref<1x128x128xf32, #tpu.memory_space<vmem>> -> memref<128x128xf32, #tpu.memory_space<vmem>>
        %dma_wait3A_126 = arith.constant 0 : i32
        %dma_wait3A_127 = arith.constant 0 : i32
        %dma_wait3A_128 = tpu.memref_slice %arg4[%dma_wait3A_126, %dma_wait3A_127] : memref<819200x128xf32, #tpu.memory_space<hbm>> -> memref<128x128xf32, #tpu.memory_space<hbm>>
        %dma_wait3A_129 = arith.constant 0 : i32
        %dma_wait3A_130 = arith.constant 0 : i32
        %dma_wait3A_131 = tpu.memref_slice %arg4[%dma_wait3A_129, %dma_wait3A_130] : memref<819200x128xf32, #tpu.memory_space<hbm>> -> memref<128x128xf32, #tpu.memory_space<hbm>>
        %dma_wait3A_132 = arith.constant 0 : i32
        %dma_wait3A_133 = arith.constant 0 : i32
        %dma_wait3A_134 = tpu.memref_slice %arg6[%dma_wait3A_121, %dma_wait3A_132, %dma_wait3A_133] : memref<2x128x128xf32, #tpu.memory_space<vmem>> -> memref<1x128x128xf32, #tpu.memory_space<vmem>>
        %dma_wait3A_135 = tpu.memref_squeeze %dma_wait3A_134 : memref<1x128x128xf32, #tpu.memory_space<vmem>> -> memref<128x128xf32, #tpu.memory_space<vmem>>
        tpu.wait_dma2 semaphore(%arg8 : memref<!tpu.dma_semaphore, #tpu.memory_space<semaphore_mem>>) src(%dma_wait3A_135 : memref<128x128xf32, #tpu.memory_space<vmem>>) dst(%dma_wait3A_131 : memref<128x128xf32, #tpu.memory_space<hbm>>)
      } else {
      }
      %add3A_41 = arith.constant 1 : i32
      %add3A_42 = arith.addi %add3A_38, %add3A_41 : i32
      %lt3A = arith.constant 200 : i32
      %lt3A_43 = arith.cmpi slt, %add3A_42, %lt3A : i32
      %convert_element_type3A_44 = arith.extui %lt3A_43 : i1 to i32
      %cond3A_45 = arith.constant 0 : i32
      %cond3A_46 = arith.cmpi ne, %convert_element_type3A_44, %cond3A_45 : i32
      scf.if %cond3A_46 {
        %add3A_121 = arith.constant 1 : i32
        %add3A_122 = arith.addi %add3A_38, %add3A_121 : i32
        %dma_start3A_123 = arith.constant 1 : i32
        %dma_start3A_124 = arith.constant 0 : i32
        %dma_start3A_125 = arith.constant 0 : i32
        %dma_start3A_126 = tpu.memref_slice %arg6[%dma_start3A_123, %dma_start3A_124, %dma_start3A_125] : memref<2x128x128xf32, #tpu.memory_space<vmem>> -> memref<1x128x128xf32, #tpu.memory_space<vmem>>
        %dma_start3A_127 = tpu.memref_squeeze %dma_start3A_126 : memref<1x128x128xf32, #tpu.memory_space<vmem>> -> memref<128x128xf32, #tpu.memory_space<vmem>>
        %dma_start3A_128 = arith.constant 0 : i32
        %dma_start3A_129 = tpu.memref_slice %arg5[%add3A_122, %dma_start3A_128] : memref<200x128xi32, #tpu.memory_space<vmem>> -> memref<1x128xi32, #tpu.memory_space<vmem>>
        %dma_start3A_130 = tpu.memref_squeeze %dma_start3A_129 : memref<1x128xi32, #tpu.memory_space<vmem>> -> memref<128xi32, #tpu.memory_space<vmem>>
        %dma_start3A_131 = arith.constant 0 : i32
        %dma_start3A_132 = arith.constant 0 : i32
        %dma_start3A_133 = tpu.memref_slice %arg3[%dma_start3A_131, %dma_start3A_132] : memref<1000000x128xf32, #tpu.memory_space<hbm>> -> memref<1000000x128xf32, #tpu.memory_space<hbm>>
        tpu.enqueue_indirect_dma source(%dma_start3A_133 : memref<1000000x128xf32, #tpu.memory_space<hbm>>) target(%dma_start3A_127 : memref<128x128xf32, #tpu.memory_space<vmem>>) offsets(%dma_start3A_130 : memref<128xi32, #tpu.memory_space<vmem>>) semaphore(%arg7 : memref<!tpu.dma_semaphore, #tpu.memory_space<semaphore_mem>>)
      } else {
      }
      %dma_wait3A_47 = arith.constant 0 : i32
      %dma_wait3A_48 = arith.constant 0 : i32
      %dma_wait3A_49 = arith.constant 0 : i32
      %dma_wait3A_50 = arith.constant 0 : i32
      %dma_wait3A_51 = tpu.memref_slice %arg6[%dma_wait3A_48, %dma_wait3A_49, %dma_wait3A_50] : memref<2x128x128xf32, #tpu.memory_space<vmem>> -> memref<1x128x128xf32, #tpu.memory_space<vmem>>
      %dma_wait3A_52 = tpu.memref_squeeze %dma_wait3A_51 : memref<1x128x128xf32, #tpu.memory_space<vmem>> -> memref<128x128xf32, #tpu.memory_space<vmem>>
      %dma_wait3A_53 = arith.constant 0 : i32
      %dma_wait3A_54 = tpu.memref_slice %arg5[%dma_wait3A_47, %dma_wait3A_53] : memref<200x128xi32, #tpu.memory_space<vmem>> -> memref<1x128xi32, #tpu.memory_space<vmem>>
      %dma_wait3A_55 = tpu.memref_squeeze %dma_wait3A_54 : memref<1x128xi32, #tpu.memory_space<vmem>> -> memref<128xi32, #tpu.memory_space<vmem>>
      %dma_wait3A_56 = arith.constant 0 : i32
      %dma_wait3A_57 = arith.constant 0 : i32
      %dma_wait3A_58 = tpu.memref_slice %arg3[%dma_wait3A_56, %dma_wait3A_57] : memref<1000000x128xf32, #tpu.memory_space<hbm>> -> memref<1000000x128xf32, #tpu.memory_space<hbm>>
      tpu.wait_indirect_dma semaphore(%arg7 : memref<!tpu.dma_semaphore, #tpu.memory_space<semaphore_mem>>) src(%dma_wait3A_58 : memref<1000000x128xf32, #tpu.memory_space<hbm>>) dst(%dma_wait3A_52 : memref<128x128xf32, #tpu.memory_space<vmem>>)
      %mul3A_59 = arith.constant 25600 : i32
      %mul3A_60 = arith.muli %add3A, %mul3A_59 : i32
      %mul3A_61 = arith.constant 128 : i32
      %mul3A_62 = arith.muli %add3A_38, %mul3A_61 : i32
      %add3A_63 = arith.addi %mul3A_60, %mul3A_62 : i32
      %dma_start3A_64 = arith.constant 0 : i32
      %dma_start3A_65 = arith.constant 0 : i32
      %dma_start3A_66 = arith.constant 0 : i32
      %dma_start3A_67 = tpu.memref_slice %arg6[%dma_start3A_64, %dma_start3A_65, %dma_start3A_66] : memref<2x128x128xf32, #tpu.memory_space<vmem>> -> memref<1x128x128xf32, #tpu.memory_space<vmem>>
      %dma_start3A_68 = tpu.memref_squeeze %dma_start3A_67 : memref<1x128x128xf32, #tpu.memory_space<vmem>> -> memref<128x128xf32, #tpu.memory_space<vmem>>
      %dma_start3A_69 = arith.constant 0 : i32
      %dma_start3A_70 = tpu.memref_slice %arg4[%add3A_63, %dma_start3A_69] : memref<819200x128xf32, #tpu.memory_space<hbm>> -> memref<128x128xf32, #tpu.memory_space<hbm>>
      %dma_start3A_71 = arith.constant 0 : i32
      %dma_start3A_72 = tpu.memref_slice %arg4[%add3A_63, %dma_start3A_71] : memref<819200x128xf32, #tpu.memory_space<hbm>> -> memref<128x128xf32, #tpu.memory_space<hbm>>
      %dma_start3A_73 = arith.constant 0 : i32
      %dma_start3A_74 = arith.constant 0 : i32
      %dma_start3A_75 = tpu.memref_slice %arg6[%dma_start3A_64, %dma_start3A_73, %dma_start3A_74] : memref<2x128x128xf32, #tpu.memory_space<vmem>> -> memref<1x128x128xf32, #tpu.memory_space<vmem>>
      %dma_start3A_76 = tpu.memref_squeeze %dma_start3A_75 : memref<1x128x128xf32, #tpu.memory_space<vmem>> -> memref<128x128xf32, #tpu.memory_space<vmem>>
      tpu.enqueue_dma source(%dma_start3A_76 : memref<128x128xf32, #tpu.memory_space<vmem>>) target(%dma_start3A_72 : memref<128x128xf32, #tpu.memory_space<hbm>>) target_semaphore(%arg8 : memref<!tpu.dma_semaphore, #tpu.memory_space<semaphore_mem>>)
      %add3A_77 = arith.constant 1 : i32
      %add3A_78 = arith.addi %add3A_36, %add3A_77 : i32
      %gt3A_79 = arith.constant 0 : i32
      %gt3A_80 = arith.cmpi sgt, %add3A_78, %gt3A_79 : i32
      %convert_element_type3A_81 = arith.extui %gt3A_80 : i1 to i32
      %cond3A_82 = arith.constant 0 : i32
      %cond3A_83 = arith.cmpi ne, %convert_element_type3A_81, %cond3A_82 : i32
      scf.if %cond3A_83 {
        %dma_wait3A_121 = arith.constant 0 : i32
        %dma_wait3A_122 = arith.constant 0 : i32
        %dma_wait3A_123 = arith.constant 0 : i32
        %dma_wait3A_124 = tpu.memref_slice %arg6[%dma_wait3A_121, %dma_wait3A_122, %dma_wait3A_123] : memref<2x128x128xf32, #tpu.memory_space<vmem>> -> memref<1x128x128xf32, #tpu.memory_space<vmem>>
        %dma_wait3A_125 = tpu.memref_squeeze %dma_wait3A_124 : memref<1x128x128xf32, #tpu.memory_space<vmem>> -> memref<128x128xf32, #tpu.memory_space<vmem>>
        %dma_wait3A_126 = arith.constant 0 : i32
        %dma_wait3A_127 = arith.constant 0 : i32
        %dma_wait3A_128 = tpu.memref_slice %arg4[%dma_wait3A_126, %dma_wait3A_127] : memref<819200x128xf32, #tpu.memory_space<hbm>> -> memref<128x128xf32, #tpu.memory_space<hbm>>
        %dma_wait3A_129 = arith.constant 0 : i32
        %dma_wait3A_130 = arith.constant 0 : i32
        %dma_wait3A_131 = tpu.memref_slice %arg4[%dma_wait3A_129, %dma_wait3A_130] : memref<819200x128xf32, #tpu.memory_space<hbm>> -> memref<128x128xf32, #tpu.memory_space<hbm>>
        %dma_wait3A_132 = arith.constant 0 : i32
        %dma_wait3A_133 = arith.constant 0 : i32
        %dma_wait3A_134 = tpu.memref_slice %arg6[%dma_wait3A_121, %dma_wait3A_132, %dma_wait3A_133] : memref<2x128x128xf32, #tpu.memory_space<vmem>> -> memref<1x128x128xf32, #tpu.memory_space<vmem>>
        %dma_wait3A_135 = tpu.memref_squeeze %dma_wait3A_134 : memref<1x128x128xf32, #tpu.memory_space<vmem>> -> memref<128x128xf32, #tpu.memory_space<vmem>>
        tpu.wait_dma2 semaphore(%arg8 : memref<!tpu.dma_semaphore, #tpu.memory_space<semaphore_mem>>) src(%dma_wait3A_135 : memref<128x128xf32, #tpu.memory_space<vmem>>) dst(%dma_wait3A_131 : memref<128x128xf32, #tpu.memory_space<hbm>>)
      } else {
      }
      %add3A_84 = arith.constant 1 : i32
      %add3A_85 = arith.addi %add3A_78, %add3A_84 : i32
      %lt3A_86 = arith.constant 200 : i32
      %lt3A_87 = arith.cmpi slt, %add3A_85, %lt3A_86 : i32
      %convert_element_type3A_88 = arith.extui %lt3A_87 : i1 to i32
      %cond3A_89 = arith.constant 0 : i32
      %cond3A_90 = arith.cmpi ne, %convert_element_type3A_88, %cond3A_89 : i32
      scf.if %cond3A_90 {
        %add3A_121 = arith.constant 1 : i32
        %add3A_122 = arith.addi %add3A_78, %add3A_121 : i32
        %dma_start3A_123 = arith.constant 0 : i32
        %dma_start3A_124 = arith.constant 0 : i32
        %dma_start3A_125 = arith.constant 0 : i32
        %dma_start3A_126 = tpu.memref_slice %arg6[%dma_start3A_123, %dma_start3A_124, %dma_start3A_125] : memref<2x128x128xf32, #tpu.memory_space<vmem>> -> memref<1x128x128xf32, #tpu.memory_space<vmem>>
        %dma_start3A_127 = tpu.memref_squeeze %dma_start3A_126 : memref<1x128x128xf32, #tpu.memory_space<vmem>> -> memref<128x128xf32, #tpu.memory_space<vmem>>
        %dma_start3A_128 = arith.constant 0 : i32
        %dma_start3A_129 = tpu.memref_slice %arg5[%add3A_122, %dma_start3A_128] : memref<200x128xi32, #tpu.memory_space<vmem>> -> memref<1x128xi32, #tpu.memory_space<vmem>>
        %dma_start3A_130 = tpu.memref_squeeze %dma_start3A_129 : memref<1x128xi32, #tpu.memory_space<vmem>> -> memref<128xi32, #tpu.memory_space<vmem>>
        %dma_start3A_131 = arith.constant 0 : i32
        %dma_start3A_132 = arith.constant 0 : i32
        %dma_start3A_133 = tpu.memref_slice %arg3[%dma_start3A_131, %dma_start3A_132] : memref<1000000x128xf32, #tpu.memory_space<hbm>> -> memref<1000000x128xf32, #tpu.memory_space<hbm>>
        tpu.enqueue_indirect_dma source(%dma_start3A_133 : memref<1000000x128xf32, #tpu.memory_space<hbm>>) target(%dma_start3A_127 : memref<128x128xf32, #tpu.memory_space<vmem>>) offsets(%dma_start3A_130 : memref<128xi32, #tpu.memory_space<vmem>>) semaphore(%arg7 : memref<!tpu.dma_semaphore, #tpu.memory_space<semaphore_mem>>)
      } else {
      }
      %dma_wait3A_91 = arith.constant 0 : i32
      %dma_wait3A_92 = arith.constant 1 : i32
      %dma_wait3A_93 = arith.constant 0 : i32
      %dma_wait3A_94 = arith.constant 0 : i32
      %dma_wait3A_95 = tpu.memref_slice %arg6[%dma_wait3A_92, %dma_wait3A_93, %dma_wait3A_94] : memref<2x128x128xf32, #tpu.memory_space<vmem>> -> memref<1x128x128xf32, #tpu.memory_space<vmem>>
      %dma_wait3A_96 = tpu.memref_squeeze %dma_wait3A_95 : memref<1x128x128xf32, #tpu.memory_space<vmem>> -> memref<128x128xf32, #tpu.memory_space<vmem>>
      %dma_wait3A_97 = arith.constant 0 : i32
      %dma_wait3A_98 = tpu.memref_slice %arg5[%dma_wait3A_91, %dma_wait3A_97] : memref<200x128xi32, #tpu.memory_space<vmem>> -> memref<1x128xi32, #tpu.memory_space<vmem>>
      %dma_wait3A_99 = tpu.memref_squeeze %dma_wait3A_98 : memref<1x128xi32, #tpu.memory_space<vmem>> -> memref<128xi32, #tpu.memory_space<vmem>>
      %dma_wait3A_100 = arith.constant 0 : i32
      %dma_wait3A_101 = arith.constant 0 : i32
      %dma_wait3A_102 = tpu.memref_slice %arg3[%dma_wait3A_100, %dma_wait3A_101] : memref<1000000x128xf32, #tpu.memory_space<hbm>> -> memref<1000000x128xf32, #tpu.memory_space<hbm>>
      tpu.wait_indirect_dma semaphore(%arg7 : memref<!tpu.dma_semaphore, #tpu.memory_space<semaphore_mem>>) src(%dma_wait3A_102 : memref<1000000x128xf32, #tpu.memory_space<hbm>>) dst(%dma_wait3A_96 : memref<128x128xf32, #tpu.memory_space<vmem>>)
      %mul3A_103 = arith.constant 25600 : i32
      %mul3A_104 = arith.muli %add3A, %mul3A_103 : i32
      %mul3A_105 = arith.constant 128 : i32
      %mul3A_106 = arith.muli %add3A_78, %mul3A_105 : i32
      %add3A_107 = arith.addi %mul3A_104, %mul3A_106 : i32
      %dma_start3A_108 = arith.constant 1 : i32
      %dma_start3A_109 = arith.constant 0 : i32
      %dma_start3A_110 = arith.constant 0 : i32
      %dma_start3A_111 = tpu.memref_slice %arg6[%dma_start3A_108, %dma_start3A_109, %dma_start3A_110] : memref<2x128x128xf32, #tpu.memory_space<vmem>> -> memref<1x128x128xf32, #tpu.memory_space<vmem>>
      %dma_start3A_112 = tpu.memref_squeeze %dma_start3A_111 : memref<1x128x128xf32, #tpu.memory_space<vmem>> -> memref<128x128xf32, #tpu.memory_space<vmem>>
      %dma_start3A_113 = arith.constant 0 : i32
      %dma_start3A_114 = tpu.memref_slice %arg4[%add3A_107, %dma_start3A_113] : memref<819200x128xf32, #tpu.memory_space<hbm>> -> memref<128x128xf32, #tpu.memory_space<hbm>>
      %dma_start3A_115 = arith.constant 0 : i32
      %dma_start3A_116 = tpu.memref_slice %arg4[%add3A_107, %dma_start3A_115] : memref<819200x128xf32, #tpu.memory_space<hbm>> -> memref<128x128xf32, #tpu.memory_space<hbm>>
      %dma_start3A_117 = arith.constant 0 : i32
      %dma_start3A_118 = arith.constant 0 : i32
      %dma_start3A_119 = tpu.memref_slice %arg6[%dma_start3A_108, %dma_start3A_117, %dma_start3A_118] : memref<2x128x128xf32, #tpu.memory_space<vmem>> -> memref<1x128x128xf32, #tpu.memory_space<vmem>>
      %dma_start3A_120 = tpu.memref_squeeze %dma_start3A_119 : memref<1x128x128xf32, #tpu.memory_space<vmem>> -> memref<128x128xf32, #tpu.memory_space<vmem>>
      tpu.enqueue_dma source(%dma_start3A_120 : memref<128x128xf32, #tpu.memory_space<vmem>>) target(%dma_start3A_116 : memref<128x128xf32, #tpu.memory_space<hbm>>) target_semaphore(%arg8 : memref<!tpu.dma_semaphore, #tpu.memory_space<semaphore_mem>>)
    }
    %scan3A_17 = arith.constant 100 : i32
    %dma_wait3A = arith.constant 0 : i32
    %dma_wait3A_18 = arith.constant 0 : i32
    %dma_wait3A_19 = arith.constant 0 : i32
    %dma_wait3A_20 = tpu.memref_slice %arg6[%dma_wait3A, %dma_wait3A_18, %dma_wait3A_19] : memref<2x128x128xf32, #tpu.memory_space<vmem>> -> memref<1x128x128xf32, #tpu.memory_space<vmem>>
    %dma_wait3A_21 = tpu.memref_squeeze %dma_wait3A_20 : memref<1x128x128xf32, #tpu.memory_space<vmem>> -> memref<128x128xf32, #tpu.memory_space<vmem>>
    %dma_wait3A_22 = arith.constant 0 : i32
    %dma_wait3A_23 = arith.constant 0 : i32
    %dma_wait3A_24 = tpu.memref_slice %arg4[%dma_wait3A_22, %dma_wait3A_23] : memref<819200x128xf32, #tpu.memory_space<hbm>> -> memref<128x128xf32, #tpu.memory_space<hbm>>
    %dma_wait3A_25 = arith.constant 0 : i32
    %dma_wait3A_26 = arith.constant 0 : i32
    %dma_wait3A_27 = tpu.memref_slice %arg4[%dma_wait3A_25, %dma_wait3A_26] : memref<819200x128xf32, #tpu.memory_space<hbm>> -> memref<128x128xf32, #tpu.memory_space<hbm>>
    %dma_wait3A_28 = arith.constant 0 : i32
    %dma_wait3A_29 = arith.constant 0 : i32
    %dma_wait3A_30 = tpu.memref_slice %arg6[%dma_wait3A, %dma_wait3A_28, %dma_wait3A_29] : memref<2x128x128xf32, #tpu.memory_space<vmem>> -> memref<1x128x128xf32, #tpu.memory_space<vmem>>
    %dma_wait3A_31 = tpu.memref_squeeze %dma_wait3A_30 : memref<1x128x128xf32, #tpu.memory_space<vmem>> -> memref<128x128xf32, #tpu.memory_space<vmem>>
    tpu.wait_dma2 semaphore(%arg8 : memref<!tpu.dma_semaphore, #tpu.memory_space<semaphore_mem>>) src(%dma_wait3A_31 : memref<128x128xf32, #tpu.memory_space<vmem>>) dst(%dma_wait3A_27 : memref<128x128xf32, #tpu.memory_space<hbm>>)
    return
  }
}

</mosaic_0001>

<sc_bundles>
// kernel: kernel.3.cloned.1.call-start
scs
__scs_entry_jumppad:
0x0: {  	(pc) =	sbr.rel $0x88, $3  }
0x1: {  	(tag) =	ssettag $0x0;
	lr =	simm.s32 $0x1  }
0x2: {  	[smem:$0x3F9F] =	sst lr;
	_ =	strace $0xD0000000  }
0x3: {  	_ = 	snop  }
0x4: {  	_ = 	snop  }
0x5: {  	_ = 	snop  }
0x6: {  	_ = 	snop  }
0x7: {  	_ = 	snop  }
__scs_overlays_trampoline_lowered:
0x8: {  	[smem:$0x3FAE] =	sst s0  }
0x9: {  	[smem:$0x3FAF] =	sst s1  }
0xa: {  	[smem:$0x3FB0] =	sst s2  }
0xb: {  	[smem:$0x3FB1] =	sst s3  }
0xc: {  	[smem:$0x3FB2] =	sst s4  }
0xd: {  	[smem:$0x3FB3] =	sst s5  }
0xe: {  	[smem:$0x3FB4] =	sst s6  }
0xf: {  	[smem:$0x3FB5] =	sst s7  }
0x10: {  	[smem:$0x3FB6] =	sst s8  }
0x11: {  	[smem:$0x3FB7] =	sst s9;
	s0 =	simm.s32 @!p0 $0x0  }
0x12: {  	s1 =	sld [smem:$0x3F9D];
	s0 =	simm.s32 @p0 $0x1  }
0x13: {  	[smem:$0x3FB8] =	sst s0;
	s0 =	simm.s32 @!p1 $0x0  }
0x14: {  	s2 =	sld [smem:$0x3F9C];
	s0 =	simm.s32 @p1 $0x1  }
0x15: {  	[smem:$0x3FB9] =	sst s0;
	s0 =	simm.s32 @!p2 $0x0  }
0x16: {  	s3 =	sld [smem:$0x3FDB];
	s0 =	simm.s32 @p2 $0x1  }
0x17: {  	s4 =	simm.s32 $0x1BF5;
	[smem:$0x3FBB] =	sst s0  }
0x18: {  	s0 =	sld [smem:$0x3F9E];
	_ =	swait.ge [sflag:s4], $0x0  }
0x19: {  	s7 =	sld [smem:$0x3F9F]  }
0x1a: {  	s8 =	sadd.s32 $0xFFFFE003, lr  }
0x1b: {  	s9 =	sadd.s32 $0xFFFFFEF7, lr;
	s5 =	simm.s32 $0xFFFFFFFF;
	p2 =	slt.u32 s8, $0xFFFFF086  }
0x1c: {  	p1 =	slt.u32 s9, $0xF7A;
	s5 =	simm.s32 @!p2 $0x0  }
0x1d: {  	s5 =	simm.s32 @p1 $0x1;
	p0 =	seq.s32 s7, s2  }
0x1e: {  	s7 =	smul.u32 @!p0 $0xF7A, s2;
	p2 =	seq.s32 @!p0 s5, $0x0  }
0x1f: {  	s9 =	smul.u32 $0xF7A, s1;
	s8 =	simm.s32 @!p0 $0x1BF5;
	p2 =	por !p2, p0  }
0x20: {  	[sflag:s8] =	ssyncset.s32 @!p0 $0xFFFFF086;
	s6 =	sadd.s32 @!p0 s3, s7;
	s7 =	simm.s32 @!p0 $0x108  }
0x21: {  	s3 =	sadd.s32 s3, s9;
	s6 =	sadd.s32 @!p0 $0x88, s6;
	s7 =	simm.s32 @p2 $0x1082  }
0x22: {  	[simem:s7], [sflag:s8] =	dma.local @!p0 [hbm:s6], $0xF7A  }
0x23: {  	s9 =	sor.u32 $0xD0000000, s2;
	s6 =	simm.s32 $0x108;
	_ =	swait.ge @!p0 [sflag:s8], $0x0  }
0x24: {  	s3 =	sadd.s32 $0x88, s3;
	s6 =	simm.s32 @!p1 $0x1082;
	[sflag:s4] =	ssyncset.s32 $0xFFFFF086  }
0x25: {  	[simem:s6], [sflag:s4] =	dma.local [hbm:s3], $0xF7A  }
0x26: {  	[smem:$0x3F9F] =	sst s1;
	(tag) =	ssettag s2;
	_ =	strace s9  }
0x27: {  	s1 =	sld [smem:$0x3FAF]  }
0x28: {  	s2 =	sld [smem:$0x3FB0]  }
0x29: {  	s4 =	sld [smem:$0x3FB2]  }
0x2a: {  	p0 =	seq.s32 s5, $0x0;
	s5 =	sld [smem:$0x3FB3]  }
0x2b: {  	s6 =	sld [smem:$0x3FB4]  }
0x2c: {  	s7 =	sld [smem:$0x3FB5]  }
0x2d: {  	s3 =	simm.s32 $0x108;
	s8 =	sld [smem:$0x3FB6]  }
0x2e: {  	s3 =	simm.s32 @!p0 $0x1082;
	s9 =	sld [smem:$0x3FB7]  }
0x2f: {  	lr =	sadd.s32 s0, s3;
	s0 =	sld [smem:$0x3FAE]  }
0x30: {  	s3 =	sld [smem:$0x3FB1]  }
0x31: {  	[smem:$0x3FBA] =	sst s10  }
0x32: {  	s10 =	sld [smem:$0x3FB8];
	_ =	sdelay $0x3  }
0x33: {  	p0 =	seq.s32 s10, $0x1;
	s10 =	sld [smem:$0x3FBA];
	_ =	sdelay $0x3  }
0x34: {  	[smem:$0x3FBA] =	sst s10  }
0x35: {  	s10 =	sld [smem:$0x3FB9];
	_ =	sdelay $0x3  }
0x36: {  	p1 =	seq.s32 s10, $0x1;
	s10 =	sld [smem:$0x3FBA];
	_ =	sdelay $0x3  }
0x37: {  	[smem:$0x3FBA] =	sst s10  }
0x38: {  	s10 =	sld [smem:$0x3FBB]  }
0x39: {  	_ = 	snop;
	(pc) =	sbr.ind lr, $3  }
0x3a: {  	_ = 	snop  }
0x3b: {  	_ = 	snop  }
0x3c: {  	p2 =	seq.s32 s10, $0x1;
	s10 =	sld [smem:$0x3FBA]  }
0x3d: {  	_ =	shalt  }
0x3e: {  	_ =	shalt  }
0x3f: {  	_ =	shalt  }
0x40: {  	_ =	shalt  }
0x41: {  	_ =	shalt  }
0x42: {  	_ =	shalt  }
0x43: {  	_ =	shalt  }
0x44: {  	_ =	shalt  }
0x45: {  	_ =	shalt  }
0x46: {  	_ =	shalt  }
0x47: {  	_ =	shalt  }
0x48: {  	_ =	shalt  }
0x49: {  	_ =	shalt  }
0x4a: {  	_ =	shalt  }
0x4b: {  	_ =	shalt  }
0x4c: {  	_ =	shalt  }
0x4d: {  	_ =	shalt  }
0x4e: {  	_ =	shalt  }
0x4f: {  	_ =	shalt  }
0x50: {  	_ =	shalt  }
0x51: {  	_ =	shalt  }
0x52: {  	_ =	shalt  }
0x53: {  	_ =	shalt  }
0x54: {  	_ =	shalt  }
0x55: {  	_ =	shalt  }
0x56: {  	_ =	shalt  }
0x57: {  	_ =	shalt  }
0x58: {  	_ =	shalt  }
0x59: {  	_ =	shalt  }
0x5a: {  	_ =	shalt  }
0x5b: {  	_ =	shalt  }
0x5c: {  	_ =	shalt  }
0x5d: {  	_ =	shalt  }
0x5e: {  	_ =	shalt  }
0x5f: {  	_ =	shalt  }
0x60: {  	_ =	shalt  }
0x61: {  	_ =	shalt  }
0x62: {  	_ =	shalt  }
0x63: {  	_ =	shalt  }
0x64: {  	_ =	shalt  }
0x65: {  	_ =	shalt  }
0x66: {  	_ =	shalt  }
0x67: {  	_ =	shalt  }
0x68: {  	_ =	shalt  }
0x69: {  	_ =	shalt  }
0x6a: {  	_ =	shalt  }
0x6b: {  	_ =	shalt  }
0x6c: {  	_ =	shalt  }
0x6d: {  	_ =	shalt  }
0x6e: {  	_ =	shalt  }
0x6f: {  	_ =	shalt  }
0x70: {  	_ =	shalt  }
0x71: {  	_ =	shalt  }
0x72: {  	_ =	shalt  }
0x73: {  	_ =	shalt  }
0x74: {  	_ =	shalt  }
0x75: {  	_ =	shalt  }
0x76: {  	_ =	shalt  }
0x77: {  	_ =	shalt  }
0x78: {  	_ =	shalt  }
0x79: {  	_ =	shalt  }
0x7a: {  	_ =	shalt  }
0x7b: {  	_ =	shalt  }
0x7c: {  	_ =	shalt  }
0x7d: {  	_ =	shalt  }
0x7e: {  	_ =	shalt  }
0x7f: {  	_ =	shalt  }
0x80: {  	_ =	shalt  }
0x81: {  	_ =	shalt  }
0x82: {  	_ =	shalt  }
0x83: {  	_ =	shalt  }
0x84: {  	_ =	shalt  }
0x85: {  	_ =	shalt  }
0x86: {  	_ =	shalt  }
0x87: {  	_ =	shalt  }
.Lfunc_end0:
.L_simem_size_0:
called_computation.1_lowered:
.L_overlay_start_0:
0x88: {  	s2 =	sld [smem:$0x3FD9]  }
0x89: {  	s3 =	sld [smem:$0x3FFE];
	_ =	sdelay $0x1  }
0x8a: {  	s1 =	srdreg.scid  }
0x8b: {  	s0 =	sand.u32 $0x1, s1  }
0x8c: {  	s17 =	sshll.u32 s0, $0xA;
	s2 =	sadd.s32 s3, s2  }
0x8d: {  	s2 =	sadd.s32 s2, s17  }
0x8e: {  	[smem:$0x3FC6] =	sst s2  }
0x8f: {  	_ = 	snop  }
0x90: {  	s2 =	sld [smem:$0x3FD0];
	(tm) =	ssettm $0x1  }
0x91: {  	s18 =	sld [smem:$0x3FFB];
	_ =	sdelay $0x3  }
0x92: {  	_ =	strace s18  }
0x93: {  	s3 =	sld [smem:$0x3FFC];
	_ =	sdelay $0x3  }
0x94: {  	_ =	strace s3  }
0x95: {  	s3 =	sld [smem:$0x3FFD];
	_ =	sdelay $0x3  }
0x96: {  	_ =	strace s3  }
0x97: {  	_ =	strace $0x8FFFFFFF  }
0x98: {  	s19 =	sld [smem:$0x3FDB];
	_ =	sdelay $0x1  }
0x99: {  	s4 =	simm.s32 $_scs_section_size  }
0x9a: {  	s5 =	simm.s32 $_size__tile_overlayer_lowered;
	s6 =	simm.s32 $_tile_overlayer_lowered  }
0x9b: {  	s22 =	simm.s32 $0x1BFF;
	s21 =	sshll.u32 s6, $0x1;
	s3 =	sadd.s32 s4, s19  }
0x9c: {  	s7 =	simm.s32 $0x0;
	s20 =	sshll.u32 s5, $0x1;
	s5 =	sadd.s32 s21, s3  }
0x9d: {  	[timem:s7], [sflag:s22] =	dma.local [hbm:s5], s20  }
0x9e: {  	_ =	swait.ge [sflag:s22], s20  }
0x9f: {  	s4 =	ssub.s32 $0x0, s20;
	[sflag:s22] =	ssyncset.done $0x0  }
0xa0: {  	[sflag:s22] =	ssyncadd.s32 s4;
	_ =	sdelay $0x1  }
0xa1: {  	s23 =	simm.s32 $0x1B8B  }
0xa2: {  	_ =	swait.ge [sflag:s23], $0x1  }
0xa3: {  	[sflag:s23] =	ssyncset.done $0x0  }
0xa4: {  	s25 =	simm.s32 $0x1B8E;
	s24 =	sld [smem:$0x3FFE];
	[sflag:s23] =	ssyncadd.s32 $0xFFFFFFFF  }
0xa5: {  	s26 =	simm.s32 $execute0_lowered;
	[smem:$0x3FD2] =	sst s25  }
0xa6: {  	s5 =	sshll.u32 s26, $0x1;
	_ =	strace $0x80000046;
	[dreg:$0x1] =	wrdreg $0xFFFFFFFF  }
0xa7: {  	s28 =	simm.s32 $_size_execute0_lowered;
	s3 =	sadd.s32 s3, s5;
	[dreg:$0x0] =	wrdreg $0x0  }
0xa8: {  	s5 =	sshll.u32 s28, $0x1;
	[dreg:$0x2] =	wrdreg s3  }
0xa9: {  	[dreg:$0x3] =	wrdreg s5  }
0xaa: {  	[dreg:$0x4] =	wrdreg $0xC0  }
0xab: {  	_ =	task [dreg:s7], $0x5FFFF  }
0xac: {  	[dreg:$0x1] =	wrdreg $0xFFFFFFFF  }
0xad: {  	[dreg:$0x0] =	wrdreg $0x60  }
0xae: {  	[dreg:$0x2] =	wrdreg s2  }
0xaf: {  	[dreg:$0x3] =	wrdreg s24  }
0xb0: {  	[dreg:$0x4] =	wrdreg $0x9  }
0xb1: {  	_ =	task.clear_ibuf [dreg:s7], $0x5FFFF;
	_ =	strace $0x90000046  }
0xb2: {  	s29 =	simm.s32 $0x9;
	_ =	strace $0x80000048  }
0xb3: {  	_ =	swait.ge [sflag:s29], $0x1  }
0xb4: {  	[sflag:s29] =	ssyncadd.s32 $0xFFFFFFFF  }
0xb5: {  	_ =	strace $0x90000048  }
0xb6: {  	_ =	sfence  }
0xb7: {  	s30 =	sld [smem:$0x0];
	_ =	sdelay $0x2  }
0xb8: {  	s31 =	sshll.u32 s1, $0xD;
	s1 =	sshrl.u32 s1, $0x2  }
0xb9: {  	s3 =	sand.u32 $0x4000, s31;
	s1 =	sadd.s32 s1, s30  }
0xba: {  	s0 =	sor.u32 s3, s0;
	s1 =	sshll.u32 s1, $0x11  }
0xbb: {  	s0 =	sor.u32 s1, s0  }
0xbc: {  	s0 =	sadd.s32 $0x8F2B, s0  }
0xbd: {  	[sflag:s0] =	ssyncadd.remote.s32 $0x1  }
0xbe: {  	_ =	sfence.sel $0xFFFF  }
0xbf: {  	[dreg:$0x0] =	wrdreg $0xFFFFFFFF;
	(pc) =	sbr.abs _section_cstart, $3  }
0xc0: {  	[dreg:$0x1] =	wrdreg $0xFFFFFFFF  }
0xc1: {  	_ =	task.clear_ibuf [dreg:s7], $0x2FFFF;
	_ =	strace $0x9FFFFFFF  }
0xc2: {  	(tm) =	ssettm $0x7FFFFFFF  }
0xc3: {  	_ =	shalt  }
tec
execute0_lowered:
.L_overlay_start_1:
0x0: {  	(tag) =	ssettag $0x1  }
0x1: {  	s4 =	rddreg [dreg:$0x0];
	s1 =	srdreg.scid  }
0x2: {  	s0 =	stileid.u32;
	s5 =	rddreg [dreg:$0x1]  }
0x3: {  	s2 =	simm.s32 $0x0;
	s14 =	simm.s32 $0x6400;
	s15 =	simm.s32 $0xA400  }
0x4: {  	s16 =	simm.s32 $0x1;
	s17 =	simm.s32 $0x2;
	s18 =	simm.s32 $0x100  }
0x5: {  	s19 =	simm.s32 $0x6380;
	s20 =	simm.s32 $0x0;
	s6 =	sand.u32 $0x1, s1  }
0x6: {  	s3 =	sshll.u32 s0, $0x1;
	s1 =	rddreg [dreg:$0x2];
	s10 =	smul.u32 $0x640000, s0  }
0x7: {  	[smem:$0x7FF] =	sst s2;
	s3 =	sor.u32 s6, s3;
	s12 =	smul.u32 $0x320000, s6  }
0x8: {  	s11 =	sadd.s32 $0xA00, s5;
	s9 =	ssub.s32 $0x2, s6;
	s7 =	smul.u32 $0xC80, s3  }
0x9: {  	_ =	strace $0x80000047;
	s8 =	smul.u32 $0x320000, s3;
	s26 =	sshrl.u32 s9, $0x1  }
0xa: {  	s3 =	sadd.s32 $0xF42E00, s5;
	s5 =	ssub.s32 s9, s26;
	s29 =	sadd.s32 s12, s10  }
0xb: {  	s12 =	simm.s32 $0x3;
	s4 =	sadd.s32 s4, s7;
	s28 =	sshrl.u32 s8, $0x3  }
0xc: {  	s5 =	smax.u32 s5, $0x1;
	s30 =	sor.u32 $0x8000, s29;
	s10 =	sor.u32 $0xC000, s29  }
0xd: {  	s6 =	sadd.s32 s11, s28;
	s31 =	sshrl.u32 s30, $0x3;
	s13 =	sshrl.u32 s10, $0x3  }
0xe: {  	s7 =	sadd.s32 $0x800, s6;
	s8 =	sadd.s32 $0x63000, s6;
	s9 =	sadd.s32 $0x63800, s6  }
0xf: {  	s10 =	sadd.s32 s31, s11;
	s11 =	sadd.s32 s13, s11;
	s13 =	simm.s32 $0x80  }
.LBB2_1:
0x10: {  	[tilespmem:s2], [sflag:$0x3] =	stream.linear.gather [hbm4b:s4+s2], $0x6400, $0x38;
	[tilespmem:$0xE400] =	vst v63  }
0x11: {  	_ =	swait.ge [sflag:s12], $0x6400  }
0x12: {  	[sflag:s12] =	ssyncset.done $0x0  }
0x13: {  	[sflag:s12] =	ssyncadd.s32 $0xFFFF9C00  }
0x14: {  	[tilespmem:s14], [sflag:$0x1] =	stream.indirect.gather [hbm4b:s3+s13], $0x80, s2, s13, $0xb8;
	[tilespmem:$0xE400] =	vst v63  }
0x15: {  	_ = 	snop  }
0x16: {  	[tilespmem:s15], [sflag:$0x1] =	stream.indirect.gather [hbm4b:s3+s13], $0x80, s13, s13, $0xb8;
	[tilespmem:$0xE400] =	vst v63  }
0x17: {  	_ =	swait.ge [sflag:s16], $0x4000  }
0x18: {  	[sflag:s16] =	ssyncset.done $0x0  }
0x19: {  	[sflag:s16] =	ssyncadd.s32 $0xFFFFC000  }
0x1a: {  	[hbm4b:s6+s2] =	stream.linear.scatter [tilespmem:s14], [sflag:$0x2], $0x4000, $0x38;
	[tilespmem:$0xE400] =	vst v63  }
0x1b: {  	_ =	swait.ge [sflag:s17], $0x4000  }
0x1c: {  	[sflag:s17] =	ssyncset.done $0x0  }
0x1d: {  	[sflag:s17] =	ssyncadd.s32 $0xFFFFC000  }
0x1e: {  	[tilespmem:s14], [sflag:$0x1] =	stream.indirect.gather [hbm4b:s3+s13], $0x80, s18, s13, $0xb8;
	[tilespmem:$0xE400] =	vst v63  }
0x1f: {  	_ =	swait.ge [sflag:s16], $0x4000  }
0x20: {  	[sflag:s16] =	ssyncset.done $0x0  }
0x21: {  	[sflag:s16] =	ssyncadd.s32 $0xFFFFC000  }
0x22: {  	[hbm4b:s7+s2] =	stream.linear.scatter [tilespmem:s15], [sflag:$0x2], $0x4000, $0x38;
	[tilespmem:$0xE400] =	vst v63  }
0x23: {  	_ =	swait.ge [sflag:s17], $0x4000  }
0x24: {  	[sflag:s17] =	ssyncset.done $0x0  }
0x25: {  	s21 =	simm.s32 $0x180;
	[sflag:s17] =	ssyncadd.s32 $0xFFFFC000  }
0x26: {  	[tilespmem:s15], [sflag:$0x1] =	stream.indirect.gather [hbm4b:s3+s13], $0x80, s21, s13, $0xb8;
	[tilespmem:$0xE400] =	vst v63  }
0x27: {  	_ =	swait.ge [sflag:s16], $0x4000  }
0x28: {  	[sflag:s16] =	ssyncset.done $0x0  }
0x29: {  	s30 =	sadd.s32 $0x0, s10;
	[sflag:s16] =	ssyncadd.s32 $0xFFFFC000  }
0x2a: {  	[hbm4b:s30+s2] =	stream.linear.scatter [tilespmem:s14], [sflag:$0x2], $0x4000, $0x38;
	[tilespmem:$0xE400] =	vst v63  }
0x2b: {  	_ =	swait.ge [sflag:s17], $0x4000  }
0x2c: {  	[sflag:s17] =	ssyncset.done $0x0  }
0x2d: {  	s31 =	simm.s32 $0x200;
	[sflag:s17] =	ssyncadd.s32 $0xFFFFC000  }
0x2e: {  	[tilespmem:s14], [sflag:$0x1] =	stream.indirect.gather [hbm4b:s3+s13], $0x80, s31, s13, $0xb8;
	[tilespmem:$0xE400] =	vst v63  }
0x2f: {  	_ =	swait.ge [sflag:s16], $0x4000  }
0x30: {  	s23 =	sadd.s32 $0x0, s11;
	[sflag:s16] =	ssyncset.done $0x0  }
0x31: {  	s22 =	simm.s32 $0x300;
	s21 =	simm.s32 $0x1000;
	[sflag:s16] =	ssyncadd.s32 $0xFFFFC000  }
.LBB2_2:
0x32: {  	[hbm4b:s23+s2] =	stream.linear.scatter [tilespmem:s15], [sflag:$0x2], $0x4000, $0x38;
	[tilespmem:$0xE400] =	vst v63  }
0x33: {  	s23 =	smov.u32 s21  }
0x34: {  	p0 =	sne.s32 s21, $0x61000;
	s21 =	sadd.s32 $0x1000, s21;
	_ =	swait.ge [sflag:s17], $0x4000  }
0x35: {  	[sflag:s17] =	ssyncset.done $0x0  }
0x36: {  	s24 =	sadd.s32 $0xFFFFFF80, s22;
	[sflag:s17] =	ssyncadd.s32 $0xFFFFC000  }
0x37: {  	[tilespmem:s15], [sflag:$0x1] =	stream.indirect.gather [hbm4b:s3+s13], $0x80, s24, s13, $0xb8;
	[tilespmem:$0xE400] =	vst v63  }
0x38: {  	_ =	swait.ge [sflag:s16], $0x4000  }
0x39: {  	[sflag:s16] =	ssyncset.done $0x0  }
0x3a: {  	s24 =	sadd.s32 s23, s10;
	[sflag:s16] =	ssyncadd.s32 $0xFFFFC000  }
0x3b: {  	[hbm4b:s24+s2] =	stream.linear.scatter [tilespmem:s14], [sflag:$0x2], $0x4000, $0x38;
	[tilespmem:$0xE400] =	vst v63  }
0x3c: {  	_ =	swait.ge [sflag:s17], $0x4000  }
0x3d: {  	[sflag:s17] =	ssyncset.done $0x0  }
.Ltmp0:
0x3e: {  	[sflag:s17] =	ssyncadd.s32 $0xFFFFC000;
	(pc) =	sbr.rel @p0 .LBB2_2-.Ltmp0, $4  }
0x3f: {  	[tilespmem:s14], [sflag:$0x1] =	stream.indirect.gather [hbm4b:s3+s13], $0x80, s22, s13, $0xb8;
	[tilespmem:$0xE400] =	vst v63  }
0x40: {  	_ =	swait.ge [sflag:s16], $0x4000  }
0x41: {  	[sflag:s16] =	ssyncset.done $0x0  }
0x42: {  	s23 =	sadd.s32 s23, s11;
	s22 =	sadd.s32 $0x100, s22;
	[sflag:s16] =	ssyncadd.s32 $0xFFFFC000  }
0x43: {  	[hbm4b:s23+s2] =	stream.linear.scatter [tilespmem:s15], [sflag:$0x2], $0x4000, $0x38;
	[tilespmem:$0xE400] =	vst v63  }
0x44: {  	_ =	swait.ge [sflag:s17], $0x4000  }
0x45: {  	[sflag:s17] =	ssyncset.done $0x0  }
0x46: {  	[sflag:s17] =	ssyncadd.s32 $0xFFFFC000  }
0x47: {  	[tilespmem:s15], [sflag:$0x1] =	stream.indirect.gather [hbm4b:s3+s13], $0x80, s19, s13, $0xb8;
	[tilespmem:$0xE400] =	vst v63  }
0x48: {  	_ =	swait.ge [sflag:s16], $0x4000  }
0x49: {  	[sflag:s16] =	ssyncset.done $0x0  }
0x4a: {  	[sflag:s16] =	ssyncadd.s32 $0xFFFFC000  }
0x4b: {  	[hbm4b:s8+s2] =	stream.linear.scatter [tilespmem:s14], [sflag:$0x2], $0x4000, $0x38;
	[tilespmem:$0xE400] =	vst v63  }
0x4c: {  	_ =	swait.ge [sflag:s17], $0x4000  }
0x4d: {  	[sflag:s17] =	ssyncset.done $0x0  }
0x4e: {  	[sflag:s17] =	ssyncadd.s32 $0xFFFFC000  }
0x4f: {  	s20 =	sadd.s32 $0x1, s20;
	_ =	swait.ge [sflag:s16], $0x4000  }
0x50: {  	p0 =	sne.s32 s20, s5;
	[sflag:s16] =	ssyncset.done $0x0  }
.Ltmp1:
0x51: {  	[sflag:s16] =	ssyncadd.s32 $0xFFFFC000;
	(pc) =	sbr.rel @p0 .LBB2_1-.Ltmp1, $4  }
0x52: {  	[hbm4b:s9+s2] =	stream.linear.scatter [tilespmem:s15], [sflag:$0x2], $0x4000, $0x38;
	[tilespmem:$0xE400] =	vst v63  }
0x53: {  	_ =	swait.ge [sflag:s17], $0x4000  }
0x54: {  	[sflag:s17] =	ssyncset.done $0x0  }
0x55: {  	[sflag:s17] =	ssyncadd.s32 $0xFFFFC000  }
0x56: {  	_ =	sfence.sel $0x180000  }
0x57: {  	[bflag:$0x0] =	sbarrier.arrive $0xFFFF  }
0x58: {  	p0 =	sne.s32 s0, $0x0;
	_ =	strace $0x90000047  }
0x59: {  	s0 =	sadd.s32 @!p0 $0x100000, s1;
	[bflag:$0x2] =	sbarrier.arrive $0xFFFF  }
0x5a: {  	[sflag:s0] =	ssyncadd.tile.s32 @!p0 $0x1;
	_ =	shalt  }
.Lfunc_end2:
_tile_overlayer_lowered:
.L_overlay_start_2:
0x5b: {  	(tag) =	ssettag $0x2  }
0x5c: {  	s0 =	rddreg [dreg:$0x0];
	s2 =	stileid.u32  }
0x5d: {  	s1 =	rddreg [dreg:$0x1];
	p0 =	sne.s32 s2, $0x0  }
0x5e: {  	s3 =	rddreg [dreg:$0x2];
	[bflag:$0x3] =	sbarrier.arrive $0xFFFF;
	s2 =	simm.s32 @!p0 $0x1C03  }
0x5f: {  	[timem:s3], [sflag:s2] =	dma.local @!p0 [hbm:s0], s1  }
0x60: {  	s0 =	simm.s32 @!p0 $0x3  }
0x61: {  	_ =	swait.ge @!p0 [sflag:s0], s1  }
0x62: {  	s1 =	ssub.s32 @!p0 $0x0, s1;
	[sflag:s0] =	ssyncset.done @!p0 $0x0  }
0x63: {  	[sflag:s0] =	ssyncadd.s32 @!p0 s1  }
0x64: {  	[bflag:$0x3] =	sbarrier.arrive $0xFFFF  }
0x65: {  	_ =	shalt  }

// kernel: sparse-core-data-format-call.cloned.1.call-start
scs
called_computation_lowered:
.L_overlay_start_0:
0x0: {  	s2 =	sld [smem:$0x3FD9]  }
0x1: {  	s3 =	sld [smem:$0x3FFE];
	_ =	sdelay $0x1  }
0x2: {  	s1 =	srdreg.scid  }
0x3: {  	s0 =	sand.u32 $0x1, s1  }
0x4: {  	s18 =	sshll.u32 s0, $0xA;
	s2 =	sadd.s32 s3, s2  }
0x5: {  	s2 =	sadd.s32 s2, s18  }
0x6: {  	[smem:$0x3FC6] =	sst s2  }
0x7: {  	_ = 	snop  }
0x8: {  	s2 =	sld [smem:$0x3FD0];
	(tm) =	ssettm $0x1  }
0x9: {  	s19 =	sld [smem:$0x3FFB];
	_ =	sdelay $0x3  }
0xa: {  	_ =	strace s19  }
0xb: {  	s3 =	sld [smem:$0x3FFC];
	_ =	sdelay $0x3  }
0xc: {  	_ =	strace s3  }
0xd: {  	s3 =	sld [smem:$0x3FFD];
	_ =	sdelay $0x3  }
0xe: {  	_ =	strace s3  }
0xf: {  	_ =	strace $0x8FFFFFFF  }
0x10: {  	s20 =	sld [smem:$0x3FDB];
	_ =	sdelay $0x1  }
0x11: {  	s4 =	simm.s32 $_scs_section_size  }
0x12: {  	s5 =	simm.s32 $_size__tile_overlayer_lowered;
	s6 =	simm.s32 $_tile_overlayer_lowered  }
0x13: {  	s23 =	simm.s32 $0x1BFF;
	s22 =	sshll.u32 s6, $0x1;
	s3 =	sadd.s32 s4, s20  }
0x14: {  	s7 =	simm.s32 $0x0;
	s21 =	sshll.u32 s5, $0x1;
	s5 =	sadd.s32 s22, s3  }
0x15: {  	[timem:s7], [sflag:s23] =	dma.local [hbm:s5], s21  }
0x16: {  	_ =	swait.ge [sflag:s23], s21  }
0x17: {  	s4 =	ssub.s32 $0x0, s21;
	[sflag:s23] =	ssyncset.done $0x0  }
0x18: {  	[sflag:s23] =	ssyncadd.s32 s4;
	_ =	sdelay $0x1  }
0x19: {  	s24 =	simm.s32 $0x1B8B  }
0x1a: {  	_ =	swait.ge [sflag:s24], $0x1  }
0x1b: {  	[sflag:s24] =	ssyncset.done $0x0  }
0x1c: {  	s26 =	simm.s32 $0x1B8E;
	s25 =	sld [smem:$0x3FFE];
	[sflag:s24] =	ssyncadd.s32 $0xFFFFFFFF  }
0x1d: {  	s27 =	simm.s32 $execute0_lowered;
	[smem:$0x3FD2] =	sst s26  }
0x1e: {  	s5 =	sshll.u32 s27, $0x1;
	_ =	strace $0x80000049;
	[dreg:$0x1] =	wrdreg $0xFFFFFFFF  }
0x1f: {  	s28 =	simm.s32 $_size_execute0_lowered;
	s3 =	sadd.s32 s3, s5;
	[dreg:$0x0] =	wrdreg $0x0  }
0x20: {  	s5 =	sshll.u32 s28, $0x1;
	[dreg:$0x2] =	wrdreg s3  }
0x21: {  	[dreg:$0x3] =	wrdreg s5  }
0x22: {  	[dreg:$0x4] =	wrdreg $0xC0  }
0x23: {  	_ =	task [dreg:s7], $0x5FFFF  }
0x24: {  	[dreg:$0x1] =	wrdreg $0xFFFFFFFF  }
0x25: {  	[dreg:$0x0] =	wrdreg $0x60  }
0x26: {  	[dreg:$0x2] =	wrdreg s25  }
0x27: {  	[dreg:$0x3] =	wrdreg s2  }
0x28: {  	[dreg:$0x4] =	wrdreg $0x9  }
0x29: {  	_ =	task.clear_ibuf [dreg:s7], $0x5FFFF;
	_ =	strace $0x90000049  }
0x2a: {  	s29 =	simm.s32 $0x9;
	_ =	strace $0x8000004B  }
0x2b: {  	_ =	swait.ge [sflag:s29], $0x1  }
0x2c: {  	[sflag:s29] =	ssyncadd.s32 $0xFFFFFFFF  }
0x2d: {  	_ =	strace $0x9000004B  }
0x2e: {  	_ =	sfence  }
0x2f: {  	s30 =	sld [smem:$0x0];
	_ =	sdelay $0x2  }
0x30: {  	s31 =	sshll.u32 s1, $0xD;
	s1 =	sshrl.u32 s1, $0x2  }
0x31: {  	s3 =	sand.u32 $0x4000, s31;
	s1 =	sadd.s32 s1, s30  }
0x32: {  	s0 =	sor.u32 s3, s0;
	s1 =	sshll.u32 s1, $0x11  }
0x33: {  	s0 =	sor.u32 s1, s0  }
0x34: {  	s0 =	sadd.s32 $0x8F2B, s0  }
0x35: {  	[sflag:s0] =	ssyncadd.remote.s32 $0x1  }
0x36: {  	_ =	sfence.sel $0xFFFF  }
0x37: {  	[dreg:$0x0] =	wrdreg $0xFFFFFFFF;
	(pc) =	sbr.abs _section_cstart, $3  }
0x38: {  	[dreg:$0x1] =	wrdreg $0xFFFFFFFF  }
0x39: {  	_ =	task.clear_ibuf [dreg:s7], $0x2FFFF;
	_ =	strace $0x9FFFFFFF  }
0x3a: {  	(tm) =	ssettm $0x7FFFFFFF  }
0x3b: {  	_ =	shalt  }
tec
execute0_lowered:
.L_overlay_start_1:
0x0: {  	(tag) =	ssettag $0x1  }
0x1: {  	s0 =	srdreg.scid  }
0x2: {  	s1 =	sshll.u32 s0, $0x4  }
0x3: {  	s0 =	stileid.u32;
	s1 =	sand.u32 $0x10, s1  }
0x4: {  	s1 =	sor.u32 s0, s1  }
0x5: {  	s6 =	rddreg [dreg:$0x0];
	s4 =	simm.s32 $0x1;
	s2 =	sshll.u32 s1, $0x7  }
0x6: {  	s7 =	simm.s32 $0x2;
	s12 =	simm.s32 $0x0;
	s1 =	ssub.s32 $0x1000, s2  }
0x7: {  	s8 =	simm.s32 $0x8000;
	s13 =	simm.s32 $0x0;
	s3 =	sand.u32 $0xF80, s1  }
0x8: {  	s9 =	simm.s32 $0x0;
	s5 =	sshrl.u32 s1, $0xC;
	p0 =	sne.s32 s3, $0x0  }
.Ltmp0:
0x9: {  	s1 =	rddreg [dreg:$0x2];
	s4 =	simm.s32 @!p0 $0x0;
	(pc) =	sbr.rel .LBB1_1-.Ltmp0, $4  }
0xa: {  	s11 =	simm.s32 $0x0;
	s3 =	rddreg [dreg:$0x1];
	s5 =	sadd.s32 s4, s5  }
0xb: {  	_ =	strace $0x8000004A;
	s4 =	simm.s32 $0x1;
	s5 =	smul.u32 $0xC8, s5  }
0xc: {  	s6 =	sadd.s32 $0xA00, s6;
	s10 =	smov.u32 s2;
	[sflag:s4] =	ssyncpa.u1 $0x0  }
0xd: {  	p0 =	por $0x0, $0x0;
	[sflag:s7] =	ssyncpa.u1 $0x0;
	s7 =	sor.u32 $0x1, s5  }
.LBB1_4:
0xe: {  	s16 =	sshll.u32 s13, $0x3;
	s17 =	sand.u32 $0x78, s13  }
0xf: {  	s30 =	sand.u32 $0x7E00, s13;
	s12 =	sshll.u32 s12, $0xF;
	s16 =	sand.u32 $0xC00, s16  }
0x10: {  	[tilespmem:s15+$0x810 ss:$0x81] =	vst.msk $0xffff, v2;
	s31 =	sand.u32 $0x7, s13;
	s16 =	sor.u32 s17, s16;
	s17 =	sadd.s32 s3, s30  }
0x11: {  	[tilespmem:s15+$0x1020 ss:$0x81] =	vst.msk $0xffff, v0;
	s13 =	sshll.u32 s31, $0x12;
	s12 =	sadd.s32 s12, s17;
	s16 =	sshrl.u32 s16, $0x3  }
0x12: {  	[tilespmem:s15+$0x0 ss:$0x81] =	vst.msk $0xffff, v1;
	s13 =	sor.u32 $0x400, s13;
	s12 =	sadd.s32 s16, s12  }
0x13: {  	[hbm4b:s12+s13] =	stream.strided.scatter [tilespmem:s14], [sflag:$0x2], $0x2000, s8, s13, $0x20;
	[tilespmem:$0x8080] =	vst v63  }
.LBB1_5:
0x14: {  	s14 =	sadd.s32 $0x1, s9  }
0x15: {  	s12 =	sadd.s32 $0x1000, s10;
	s16 =	smov.u32 s10;
	p2 =	sgt.s32 s14, $0xC7  }
0x16: {  	s16 =	smov.u32 @p2 s12  }
0x17: {  	s14 =	simm.s32 @p2 $0x0;
	p2 =	sgt.s32 s16, $0xFFF  }
0x18: {  	s16 =	smov.u32 @p2 s2;
	p2 =	sne.s32 s11, s7  }
.Ltmp1:
0x19: {  	p1 =	slt.u32 s11, $0x2;
	(pc) =	sbr.rel @!p2 .LBB1_6-.Ltmp1, $4  }
0x1a: {  	s15 =	simm.s32 @!p1 $0x2  }
0x1b: {  	s13 =	smov.u32 s10;
	p0 =	por !p0, !p0;
	_ =	swait.ge @!p1 [sflag:s15], $0x2000  }
0x1c: {  	s12 =	smov.u32 s9;
	[sflag:s15] =	ssyncset.done @!p1 $0x0;
	s9 =	smov.u32 s14  }
0x1d: {  	s11 =	sadd.s32 $0x1, s11;
	[sflag:s15] =	ssyncadd.s32 @!p1 $0xFFFFE000;
	s10 =	smov.u32 s16  }
.LBB1_1:
0x1e: {  	p1 =	sge.u32 s11, s5  }
0x1f: {  	s14 =	sand.u32 @!p1 $0x1FFFFFF, s9  }
0x20: {  	s15 =	smulhi.u32 @!p1 $0x147AE15, s14;
	_ =	sdelay $0x1  }
0x21: {  	s15 =	smul.u32 @!p1 $0xC8, s15  }
0x22: {  	s16 =	sxor.u32 @!p1 $0xFFFFFFFF, s11;
	s17 =	smul.u32 @!p1 $0xC80, s10  }
0x23: {  	s31 =	sadd.s32 $0xFFFFFFFF, s11;
	s16 =	sshll.u32 @!p1 s16, $0xD;
	s14 =	ssub.s32 @!p1 s14, s15  }
0x24: {  	s15 =	sand.u32 @!p1 $0x2000, s16;
	s16 =	sadd.s32 @!p1 s6, s17;
	s14 =	sshll.u32 @!p1 s14, $0x4  }
0x25: {  	s17 =	simm.s32 @!p1 $0x6400;
	s14 =	sadd.s32 @!p1 s14, s16;
	s16 =	simm.s32 @!p1 $0x40  }
0x26: {  	[tilespmem:s15], [sflag:$0x1] =	stream.strided.gather @!p1 [hbm4b:s14+s16], $0x2000, s17, s16, $0x38;
	[tilespmem:$0x8080] =	vst v63  }
0x27: {  	p1 =	sge.u32 s31, s5  }
.Ltmp2:
0x28: {  	_ = 	snop;
	(pc) =	sbr.rel @p1 .LBB1_5-.Ltmp2, $1  }
0x29: {  	_ =	sdelay $0x3  }
0x2a: {  	s14 =	simm.s32 $0x1  }
0x2b: {  	_ =	swait.ge [sflag:s4], $0x2000;
	s14 =	simm.s32 @!p0 $0x0  }
0x2c: {  	[sflag:s4] =	ssyncset.done $0x0;
	s15 =	sshll.u32 s14, $0xD  }
0x2d: {  	[sflag:s4] =	ssyncadd.s32 $0xFFFFE000;
	s18 =	sor.u32 $0x20, s15  }
0x2e: {  	s14 =	smul.u32 $0x8100, s14;
	v3 =	vld [tilespmem:s18+$0x10]  }
0x2f: {  	s30 =	sand.u32 $0x1, s11;
	v2 =	vld [tilespmem:s18+$0xFFFFFFF0]  }
0x30: {  	s15 =	smul.u32 $0x8100, s30;
	s14 =	sshrl.u32 s14, $0x2;
	v0 =	vld [tilespmem:s18+$0x0]  }
0x31: {  	v1 =	vld [tilespmem:s18+$0xFFFFFFE0];
	s16 =	sor.u32 $0x4000, s14  }
0x32: {  	s31 =	sshrl.u32 s15, $0x2;
	s15 =	sadd.s32 $0x0, s16  }
0x33: {  	s17 =	simm.s32 $0x4;
	s18 =	sadd.s32 $0x40, s18;
	s14 =	sor.u32 $0x4000, s31;
	[tilespmem:s15+$0x1830 ss:$0x81] =	vst.msk $0xffff, v3  }
.LBB1_3:
0x34: {  	v3 =	vld [tilespmem:s18+$0x10];
	p1 =	sne.s32 s17, $0x1FC;
	[tilespmem:s15+$0x810 ss:$0x81] =	vst.msk $0xffff, v2;
	s19 =	smov.u32 s17;
	s17 =	sadd.s32 $0x4, s17  }
.Ltmp3:
0x35: {  	v2 =	vld [tilespmem:s18+$0xFFFFFFF0];
	[tilespmem:s15+$0x1020 ss:$0x81] =	vst.msk $0xffff, v0;
	(pc) =	sbr.rel @p1 .LBB1_3-.Ltmp3, $4  }
0x36: {  	v0 =	vld [tilespmem:s18+$0x0];
	[tilespmem:s15+$0x0 ss:$0x81] =	vst.msk $0xffff, v1  }
0x37: {  	s15 =	sshra.s32 s19, $0x2;
	v1 =	vld [tilespmem:s18+$0xFFFFFFE0]  }
0x38: {  	s15 =	sadd.s32 s15, s16  }
0x39: {  	s18 =	sadd.s32 $0x40, s18;
	[tilespmem:s15+$0x1830 ss:$0x81] =	vst.msk $0xffff, v3  }
.Ltmp4:
0x3a: {  	_ = 	snop;
	(pc) =	sbr.rel .LBB1_4-.Ltmp4, $1  }
0x3b: {  	_ =	sdelay $0x3  }
.LBB1_6:
0x3c: {  	_ =	sfence.sel $0x180000  }
0x3d: {  	s2 =	simm.s32 $0x1;
	[bflag:$0x0] =	sbarrier.arrive $0xFFFF  }
0x3e: {  	s31 =	simm.s32 $0x2;
	[sflag:s2] =	ssyncpa.u1 $0x1  }
0x3f: {  	[sflag:s31] =	ssyncpa.u1 $0x1  }
0x40: {  	p0 =	sne.s32 s0, $0x0;
	_ =	strace $0x9000004A  }
0x41: {  	s0 =	sadd.s32 @!p0 $0x100000, s1;
	[bflag:$0x2] =	sbarrier.arrive $0xFFFF  }
0x42: {  	[sflag:s0] =	ssyncadd.tile.s32 @!p0 $0x1;
	_ =	shalt  }
.Lfunc_end1:
_tile_overlayer_lowered:
.L_overlay_start_2:
0x43: {  	(tag) =	ssettag $0x2  }
0x44: {  	s0 =	rddreg [dreg:$0x0];
	s2 =	stileid.u32  }
0x45: {  	s1 =	rddreg [dreg:$0x1];
	p0 =	sne.s32 s2, $0x0  }
0x46: {  	s3 =	rddreg [dreg:$0x2];
	[bflag:$0x3] =	sbarrier.arrive $0xFFFF;
	s2 =	simm.s32 @!p0 $0x1C01  }
0x47: {  	[timem:s3], [sflag:s2] =	dma.local @!p0 [hbm:s0], s1  }
0x48: {  	s0 =	simm.s32 @!p0 $0x1  }
0x49: {  	_ =	swait.ge @!p0 [sflag:s0], s1  }
0x4a: {  	s1 =	ssub.s32 @!p0 $0x0, s1;
	[sflag:s0] =	ssyncset.done @!p0 $0x0  }
0x4b: {  	[sflag:s0] =	ssyncadd.s32 @!p0 s1  }
0x4c: {  	[bflag:$0x3] =	sbarrier.arrive $0xFFFF  }
0x4d: {  	_ =	shalt  }

</sc_bundles>
